<compile_context>
chip_gen: v7x
topology: tpu7x:2x2x1
jax: 0.10.2.dev20260603
libtpu: 0.0.44.dev20260713+nightly
codegen_flags: <defaults>
</compile_context>

<pallas_src>
import functools

import jax
import jax.numpy as jnp
from jax import lax
from jax.experimental import pallas as pl
from jax.experimental.pallas import tpu as pltpu
from jax.experimental.pallas import tpu_sc as plsc

N_NODES = 10000
NP = 10240
N_EDGES = 320000
D = 128
NC = 2
NS = 16
NW = NC * NS
E_PER_TILE = N_EDGES // NW
NBF = 128
NFULL = E_PER_TILE // NBF
REM = E_PER_TILE - NFULL * NBF
ROWS_PER_TILE = NP // NS
CMARK = 4096.0


def _sc_scatter(edata, recv, zsum):
  mesh = plsc.VectorSubcoreMesh(
      core_axis_name="c", subcore_axis_name="s", num_cores=NC, num_subcores=NS)

  @functools.partial(
      pl.kernel,
      out_type=jax.ShapeDtypeStruct((NC * NP, D), jnp.float32),
      mesh=mesh,
      scratch_types=dict(
          idx_a=pltpu.VMEM((NBF,), jnp.int32),
          idx_b=pltpu.VMEM((NBF,), jnp.int32),
          buf_a=pltpu.VMEM((NBF, D), jnp.float32),
          buf_b=pltpu.VMEM((NBF, D), jnp.float32),
          idx_r=pltpu.VMEM((REM,), jnp.int32),
          buf_r=pltpu.VMEM((REM, D), jnp.float32),
          acc=pltpu.VMEM_SHARED((NP, D), jnp.float32),
          s_ia=pltpu.SemaphoreType.DMA,
          s_ib=pltpu.SemaphoreType.DMA,
          s_ea=pltpu.SemaphoreType.DMA,
          s_eb=pltpu.SemaphoreType.DMA,
          s_sa=pltpu.SemaphoreType.DMA,
          s_sb=pltpu.SemaphoreType.DMA,
      ),
  )
  def k(edata_hbm, recv_hbm, zsum_hbm, out,
        idx_a, idx_b, buf_a, buf_b, idx_r, buf_r, acc,
        s_ia, s_ib, s_ea, s_eb, s_sa, s_sb):
    c = lax.axis_index("c")
    s = lax.axis_index("s")
    wid = c * NS + s
    r0 = s * ROWS_PER_TILE
    out_base = c * NP + r0
    e0 = wid * E_PER_TILE

    def start(k_, idx_v, buf_v, s_i, s_e):
      base = e0 + k_ * NBF
      pltpu.async_copy(recv_hbm.at[pl.ds(base, NBF)], idx_v, s_i)
      pltpu.async_copy(edata_hbm.at[pl.ds(base, NBF)], buf_v, s_e)

    def wait_load(k_, idx_v, buf_v, s_i, s_e):
      base = e0 + k_ * NBF
      pltpu.make_async_copy(recv_hbm.at[pl.ds(base, NBF)], idx_v, s_i).wait()
      pltpu.make_async_copy(edata_hbm.at[pl.ds(base, NBF)], buf_v, s_e).wait()

    cvec = jnp.where(lax.iota(jnp.int32, 16) == 0, CMARK, 0.0).astype(jnp.float32)

    def add_marker(buf_v, n):
      def rb(j, carry):
        buf_v[j, pl.ds(0, 16)] = buf_v[j, pl.ds(0, 16)] + cvec
        return carry

      lax.fori_loop(0, n, rb, 0)

    pltpu.sync_copy(zsum_hbm, acc.at[pl.ds(r0, ROWS_PER_TILE)])
    start(0, idx_a, buf_a, s_ia, s_ea)
    start(1, idx_b, buf_b, s_ib, s_eb)
    plsc.subcore_barrier()

    def body(i, carry):
      ka = 2 * i
      kb = 2 * i + 1
      wait_load(ka, idx_a, buf_a, s_ia, s_ea)
      add_marker(buf_a, NBF)
      pltpu.async_copy(buf_a, acc.at[idx_a], s_sa, add=True)

      wait_load(kb, idx_b, buf_b, s_ib, s_eb)
      add_marker(buf_b, NBF)
      pltpu.async_copy(buf_b, acc.at[idx_b], s_sb, add=True)

      pltpu.make_async_copy(buf_a, acc.at[idx_a], s_sa).wait()

      @pl.when(ka + 2 < NFULL)
      def _():
        start(ka + 2, idx_a, buf_a, s_ia, s_ea)

      pltpu.make_async_copy(buf_b, acc.at[idx_b], s_sb).wait()

      @pl.when(kb + 2 < NFULL)
      def _():
        start(kb + 2, idx_b, buf_b, s_ib, s_eb)

      return carry

    lax.fori_loop(0, NFULL // 2, body, 0)
    base_r = e0 + NFULL * NBF
    pltpu.sync_copy(recv_hbm.at[pl.ds(base_r, REM)], idx_r)
    pltpu.sync_copy(edata_hbm.at[pl.ds(base_r, REM)], buf_r)
    add_marker(buf_r, REM)
    pltpu.sync_copy(buf_r, acc.at[idx_r], add=True)

    plsc.subcore_barrier()
    pltpu.sync_copy(acc.at[pl.ds(r0, ROWS_PER_TILE)],
                    out.at[pl.ds(out_base, ROWS_PER_TILE)])

  return k(edata, recv, zsum)


BM = 2000


def _combine(sums_p, vdata, W, b2):
  def body(s_ref, v_ref, w_ref, b_ref, o_ref):
    s = s_ref[0] + s_ref[1]
    cnt = jnp.round(s[:, 0:1] * (1.0 / CMARK))
    cntc = jnp.maximum(cnt, 1.0)
    agg0 = (s[:, 0:1] - CMARK * cnt) / cntc
    agg = jnp.concatenate([agg0, s[:, 1:] / cntc], axis=1)
    o_ref[...] = (
        jnp.dot(agg, w_ref[0:D, :], preferred_element_type=jnp.float32)
        + jnp.dot(v_ref[...], w_ref[D:2 * D, :], preferred_element_type=jnp.float32)
        + b_ref[...]
    )

  return pl.pallas_call(
      body,
      grid=(N_NODES // BM,),
      in_specs=[
          pl.BlockSpec((NC, BM, D), lambda i: (0, i, 0)),
          pl.BlockSpec((BM, D), lambda i: (i, 0)),
          pl.BlockSpec((2 * D, D), lambda i: (0, 0)),
          pl.BlockSpec((1, D), lambda i: (0, 0)),
      ],
      out_specs=pl.BlockSpec((BM, D), lambda i: (i, 0)),
      out_shape=jax.ShapeDtypeStruct((N_NODES, D), jnp.float32),
  )(sums_p, vdata, W, b2)


def kernel(vdata, edata, connectivity, W, b):
  recv = connectivity[1]
  zsum = jnp.zeros((ROWS_PER_TILE, D), jnp.float32)
  acc_p = _sc_scatter(edata, recv, zsum)
  acc_p = acc_p.reshape(NC, NP, D)
  return _combine(acc_p, vdata, W, b.reshape(1, D))

# --- scband reference (transcript-rebuilt; emitter-appended) ---
"""Pipeline reference for scband-node-block-74285754352302 (READ-ONLY COPY).

The authoritative reference and input builder live on the scoring server;
editing this copy changes nothing except your own understanding.
"""

import jax, jax.numpy as jnp
import numpy as np

N_NODES = 10000
N_EDGES = 320000
D_FEAT = 128


def setup_inputs(seed: int = 0) -> dict:
    key = jax.random.key(seed)
    k1, k2, k3, k4 = jax.random.split(key, 4)
    vdata = jax.random.normal(k1, (N_NODES, D_FEAT), dtype=jnp.float32)
    edata = jax.random.normal(k2, (N_EDGES, D_FEAT), dtype=jnp.float32)
    # row 0 = senders, row 1 = receivers (int32 used since CPU jax x64 is off by default)
    connectivity = jax.random.randint(k3, (2, N_EDGES), 0, N_NODES, dtype=jnp.int32)
    # updater = Linear(2*D_FEAT, D_FEAT): input is concat([aggregated, vdata], dim=1)
    W = jax.random.normal(k4, (2 * D_FEAT, D_FEAT), dtype=jnp.float32) * 0.05
    b = jnp.zeros((D_FEAT,), dtype=jnp.float32)
    return {"vdata": vdata, "edata": edata, "connectivity": connectivity, "W": W, "b": b}


def reference(vdata, edata, connectivity, W, b):
    # NodeBlock.forward (non-independent, single edge type 'edge', mean e2n aggregator, cdata=None)
    receivers = connectivity[1, :]
    num_nodes = vdata.shape[0]
    # mean-aggregate incoming edge features per receiver node (scatter-mean)
    summed = jax.ops.segment_sum(edata, receivers, num_segments=num_nodes)
    counts = jax.ops.segment_sum(jnp.ones((edata.shape[0],), dtype=jnp.float32), receivers, num_segments=num_nodes)
    aggregated = summed / jnp.clip(counts, 1.0)[:, None]
    # updater(concat([aggregated, vdata], dim=1))
    h = jnp.concatenate([aggregated, vdata], axis=1)
    return h @ W + b

if __name__ == "__main__":
    import jax
    _d = setup_inputs()
    print(jax.jit(kernel)(*tuple(_d.values())))

</pallas_src>

<mosaic_0001>
#map = affine_map<(d0, d1) -> (0, 0)>
#map1 = affine_map<(d0, d1) -> (0)>
module attributes {stable_mosaic.version = 14 : i64} {
  func.func @k(%arg0: i32, %arg1: i32, %arg2: memref<320000x128xf32, #tpu.memory_space<hbm>>, %arg3: memref<320000xi32, #tpu.memory_space<hbm>>, %arg4: memref<640x128xf32, #tpu.memory_space<hbm>>, %arg5: memref<20480x128xf32, #tpu.memory_space<hbm>>, %arg6: memref<10240x128xf32, #tpu.memory_space<vmem_shared>>, %arg7: memref<128x128xf32, #tpu.memory_space<vmem>>, %arg8: memref<128x128xf32, #tpu.memory_space<vmem>>, %arg9: memref<16x128xf32, #tpu.memory_space<vmem>>, %arg10: memref<128xi32, #tpu.memory_space<vmem>>, %arg11: memref<128xi32, #tpu.memory_space<vmem>>, %arg12: memref<16xi32, #tpu.memory_space<vmem>>, %arg13: memref<!tpu.dma_semaphore, #tpu.memory_space<semaphore_mem>>, %arg14: memref<!tpu.dma_semaphore, #tpu.memory_space<semaphore_mem>>, %arg15: memref<!tpu.dma_semaphore, #tpu.memory_space<semaphore_mem>>, %arg16: memref<!tpu.dma_semaphore, #tpu.memory_space<semaphore_mem>>, %arg17: memref<!tpu.dma_semaphore, #tpu.memory_space<semaphore_mem>>, %arg18: memref<!tpu.dma_semaphore, #tpu.memory_space<semaphore_mem>>) attributes {dimension_semantics = [#tpu.dimension_semantics<core_parallel>, #tpu.dimension_semantics<subcore_parallel>], iteration_bounds = array<i64: 2, 16>, scalar_prefetch = 0 : i64, scratch_operands = 13 : i64, tpu.core_type = #tpu.core_type<sc_vector_subcore>, window_params = [{transform_indices = #map}, {transform_indices = #map1}, {transform_indices = #map}, {transform_indices = #map}]} {
    %mul3A = arith.constant 16 : i32
    %mul3A_0 = arith.muli %arg0, %mul3A : i32
    %add3A = arith.addi %mul3A_0, %arg1 : i32
    %mul3A_1 = arith.constant 640 : i32
    %mul3A_2 = arith.muli %arg1, %mul3A_1 : i32
    %mul3A_3 = arith.constant 10240 : i32
    %mul3A_4 = arith.muli %arg0, %mul3A_3 : i32
    %add3A_5 = arith.addi %mul3A_4, %mul3A_2 : i32
    %mul3A_6 = arith.constant 10000 : i32
    %mul3A_7 = arith.muli %add3A, %mul3A_6 : i32
    %iota3A = tpu.iota {dimensions = array<i32: 0>} : vector<16xi32>
    %eq3A = arith.constant 0 : i32
    %eq3A_8 = vector.broadcast %eq3A : i32 to vector<16xi32>
    %eq3A_9 = arith.cmpi eq, %iota3A, %eq3A_8 : vector<16xi32>
    %jit3A = arith.constant 4.096000e+03 : f32
    %jit3A_10 = arith.constant 0.000000e+00 : f32
    %broadcast_in_dim3A = vector.broadcast %jit3A : f32 to vector<16xf32>
    %broadcast_in_dim3A_11 = vector.broadcast %jit3A_10 : f32 to vector<16xf32>
    %select_n3A = arith.select %eq3A_9, %broadcast_in_dim3A, %broadcast_in_dim3A_11 : vector<16xi1>, vector<16xf32>
    "tpu.region"() ({
      %run_scoped3A = tpu.sem_alloc : memref<!tpu.dma_semaphore, #tpu.memory_space<semaphore_mem>>
      %dma_start3A_41 = arith.constant 0 : i32
      %dma_start3A_42 = tpu.memref_slice %arg6[%mul3A_2, %dma_start3A_41] : memref<10240x128xf32, #tpu.memory_space<vmem_shared>> -> memref<640x128xf32, #tpu.memory_space<vmem_shared>>
      tpu.enqueue_dma source(%arg4 : memref<640x128xf32, #tpu.memory_space<hbm>>) target(%dma_start3A_42 : memref<640x128xf32, #tpu.memory_space<vmem_shared>>) target_semaphore(%run_scoped3A : memref<!tpu.dma_semaphore, #tpu.memory_space<semaphore_mem>>)
      %dma_wait3A = arith.constant 0 : i32
      %dma_wait3A_43 = tpu.memref_slice %arg6[%mul3A_2, %dma_wait3A] : memref<10240x128xf32, #tpu.memory_space<vmem_shared>> -> memref<640x128xf32, #tpu.memory_space<vmem_shared>>
      tpu.wait_dma2 semaphore(%run_scoped3A : memref<!tpu.dma_semaphore, #tpu.memory_space<semaphore_mem>>) src(%arg4 : memref<640x128xf32, #tpu.memory_space<hbm>>) dst(%dma_wait3A_43 : memref<640x128xf32, #tpu.memory_space<vmem_shared>>)
      tpu.yield
    }) : () -> ()
    %add3A_12 = arith.constant 0 : i32
    %add3A_13 = arith.addi %mul3A_7, %add3A_12 : i32
    %dma_start3A = tpu.memref_slice %arg3[%add3A_13] : memref<320000xi32, #tpu.memory_space<hbm>> -> memref<128xi32, #tpu.memory_space<hbm>>
    %dma_start3A_14 = tpu.memref_slice %arg3[%add3A_13] : memref<320000xi32, #tpu.memory_space<hbm>> -> memref<128xi32, #tpu.memory_space<hbm>>
    tpu.enqueue_dma source(%dma_start3A_14 : memref<128xi32, #tpu.memory_space<hbm>>) target(%arg10 : memref<128xi32, #tpu.memory_space<vmem>>) target_semaphore(%arg15 : memref<!tpu.dma_semaphore, #tpu.memory_space<semaphore_mem>>)
    %dma_start3A_15 = arith.constant 0 : i32
    %dma_start3A_16 = tpu.memref_slice %arg2[%add3A_13, %dma_start3A_15] : memref<320000x128xf32, #tpu.memory_space<hbm>> -> memref<128x128xf32, #tpu.memory_space<hbm>>
    %dma_start3A_17 = arith.constant 0 : i32
    %dma_start3A_18 = tpu.memref_slice %arg2[%add3A_13, %dma_start3A_17] : memref<320000x128xf32, #tpu.memory_space<hbm>> -> memref<128x128xf32, #tpu.memory_space<hbm>>
    tpu.enqueue_dma source(%dma_start3A_18 : memref<128x128xf32, #tpu.memory_space<hbm>>) target(%arg7 : memref<128x128xf32, #tpu.memory_space<vmem>>) target_semaphore(%arg13 : memref<!tpu.dma_semaphore, #tpu.memory_space<semaphore_mem>>)
    %add3A_19 = arith.constant 128 : i32
    %add3A_20 = arith.addi %mul3A_7, %add3A_19 : i32
    %dma_start3A_21 = tpu.memref_slice %arg3[%add3A_20] : memref<320000xi32, #tpu.memory_space<hbm>> -> memref<128xi32, #tpu.memory_space<hbm>>
    %dma_start3A_22 = tpu.memref_slice %arg3[%add3A_20] : memref<320000xi32, #tpu.memory_space<hbm>> -> memref<128xi32, #tpu.memory_space<hbm>>
    tpu.enqueue_dma source(%dma_start3A_22 : memref<128xi32, #tpu.memory_space<hbm>>) target(%arg11 : memref<128xi32, #tpu.memory_space<vmem>>) target_semaphore(%arg16 : memref<!tpu.dma_semaphore, #tpu.memory_space<semaphore_mem>>)
    %dma_start3A_23 = arith.constant 0 : i32
    %dma_start3A_24 = tpu.memref_slice %arg2[%add3A_20, %dma_start3A_23] : memref<320000x128xf32, #tpu.memory_space<hbm>> -> memref<128x128xf32, #tpu.memory_space<hbm>>
    %dma_start3A_25 = arith.constant 0 : i32
    %dma_start3A_26 = tpu.memref_slice %arg2[%add3A_20, %dma_start3A_25] : memref<320000x128xf32, #tpu.memory_space<hbm>> -> memref<128x128xf32, #tpu.memory_space<hbm>>
    tpu.enqueue_dma source(%dma_start3A_26 : memref<128x128xf32, #tpu.memory_space<hbm>>) target(%arg8 : memref<128x128xf32, #tpu.memory_space<vmem>>) target_semaphore(%arg14 : memref<!tpu.dma_semaphore, #tpu.memory_space<semaphore_mem>>)
    %barrier3A = arith.constant 0 : index
    tpu.barrier barrier_id(%barrier3A)
    %scan3A = arith.constant 0 : i32
    %scan3A_27 = arith.constant 0 : i32
    %scan3A_28 = arith.constant 39 : i32
    %scan3A_29 = arith.addi %scan3A_27, %scan3A_28 : i32
    %scan3A_30 = arith.constant 1 : i32
    scf.for %scan3A_41 = %scan3A_27 to %scan3A_29 step %scan3A_30  : i32 {
      %mul3A_42 = arith.constant 2 : i32
      %mul3A_43 = arith.muli %mul3A_42, %scan3A_41 : i32
      %mul3A_44 = arith.constant 2 : i32
      %mul3A_45 = arith.muli %mul3A_44, %scan3A_41 : i32
      %add3A_46 = arith.constant 1 : i32
      %add3A_47 = arith.addi %mul3A_45, %add3A_46 : i32
      %mul3A_48 = arith.constant 128 : i32
      %mul3A_49 = arith.muli %mul3A_43, %mul3A_48 : i32
      %add3A_50 = arith.addi %mul3A_7, %mul3A_49 : i32
      %dma_wait3A = tpu.memref_slice %arg3[%add3A_50] : memref<320000xi32, #tpu.memory_space<hbm>> -> memref<128xi32, #tpu.memory_space<hbm>>
      %dma_wait3A_51 = tpu.memref_slice %arg3[%add3A_50] : memref<320000xi32, #tpu.memory_space<hbm>> -> memref<128xi32, #tpu.memory_space<hbm>>
      tpu.wait_dma2 semaphore(%arg15 : memref<!tpu.dma_semaphore, #tpu.memory_space<semaphore_mem>>) src(%dma_wait3A_51 : memref<128xi32, #tpu.memory_space<hbm>>) dst(%arg10 : memref<128xi32, #tpu.memory_space<vmem>>)
      %dma_wait3A_52 = arith.constant 0 : i32
      %dma_wait3A_53 = tpu.memref_slice %arg2[%add3A_50, %dma_wait3A_52] : memref<320000x128xf32, #tpu.memory_space<hbm>> -> memref<128x128xf32, #tpu.memory_space<hbm>>
      %dma_wait3A_54 = arith.constant 0 : i32
      %dma_wait3A_55 = tpu.memref_slice %arg2[%add3A_50, %dma_wait3A_54] : memref<320000x128xf32, #tpu.memory_space<hbm>> -> memref<128x128xf32, #tpu.memory_space<hbm>>
      tpu.wait_dma2 semaphore(%arg13 : memref<!tpu.dma_semaphore, #tpu.memory_space<semaphore_mem>>) src(%dma_wait3A_55 : memref<128x128xf32, #tpu.memory_space<hbm>>) dst(%arg7 : memref<128x128xf32, #tpu.memory_space<vmem>>)
      %scan3A_56 = arith.constant 0 : i32
      %scan3A_57 = arith.constant 0 : i32
      %scan3A_58 = arith.constant 128 : i32
      %scan3A_59 = arith.addi %scan3A_57, %scan3A_58 : i32
      %scan3A_60 = arith.constant 1 : i32
      scf.for %scan3A_100 = %scan3A_57 to %scan3A_59 step %scan3A_60  : i32 {
        %get3A = arith.index_cast %scan3A_100 : i32 to index
        %get3A_101 = arith.constant 0 : index
        %get3A_102 = tpu.vector_load %arg7[%get3A, %get3A_101] {strides = array<i32>} : memref<128x128xf32, #tpu.memory_space<vmem>>, vector<1x16xf32>,
        %get3A_103 = vector.shape_cast %get3A_102 : vector<1x16xf32> to vector<16xf32>
        %add3A_104 = arith.addf %get3A_103, %select_n3A : vector<16xf32>
        %swap3A = arith.index_cast %scan3A_100 : i32 to index
        %swap3A_105 = arith.constant 0 : index
        %swap3A_106 = tpu.vector_load %arg7[%swap3A, %swap3A_105] {strides = array<i32>} : memref<128x128xf32, #tpu.memory_space<vmem>>, vector<1x16xf32>,
        %swap3A_107 = vector.shape_cast %swap3A_106 : vector<1x16xf32> to vector<16xf32>
        %swap3A_108 = vector.shape_cast %add3A_104 : vector<16xf32> to vector<1x16xf32>
        tpu.vector_store %arg7[%swap3A, %swap3A_105], %swap3A_108 {strides = array<i32>} : memref<128x128xf32, #tpu.memory_space<vmem>>, vector<1x16xf32>,
      }
      %scan3A_61 = arith.constant 128 : i32
      %dma_start3A_62 = arith.constant 0 : i32
      %dma_start3A_63 = arith.constant 0 : i32
      %dma_start3A_64 = tpu.memref_slice %arg6[%dma_start3A_62, %dma_start3A_63] : memref<10240x128xf32, #tpu.memory_space<vmem_shared>> -> memref<10240x128xf32, #tpu.memory_space<vmem_shared>>
      tpu.enqueue_indirect_dma source(%arg7 : memref<128x128xf32, #tpu.memory_space<vmem>>) target(%dma_start3A_64 : memref<10240x128xf32, #tpu.memory_space<vmem_shared>>) offsets(%arg10 : memref<128xi32, #tpu.memory_space<vmem>>) semaphore(%arg17 : memref<!tpu.dma_semaphore, #tpu.memory_space<semaphore_mem>>) {add = true}
      %mul3A_65 = arith.constant 128 : i32
      %mul3A_66 = arith.muli %add3A_47, %mul3A_65 : i32
      %add3A_67 = arith.addi %mul3A_7, %mul3A_66 : i32
      %dma_wait3A_68 = tpu.memref_slice %arg3[%add3A_67] : memref<320000xi32, #tpu.memory_space<hbm>> -> memref<128xi32, #tpu.memory_space<hbm>>
      %dma_wait3A_69 = tpu.memref_slice %arg3[%add3A_67] : memref<320000xi32, #tpu.memory_space<hbm>> -> memref<128xi32, #tpu.memory_space<hbm>>
      tpu.wait_dma2 semaphore(%arg16 : memref<!tpu.dma_semaphore, #tpu.memory_space<semaphore_mem>>) src(%dma_wait3A_69 : memref<128xi32, #tpu.memory_space<hbm>>) dst(%arg11 : memref<128xi32, #tpu.memory_space<vmem>>)
      %dma_wait3A_70 = arith.constant 0 : i32
      %dma_wait3A_71 = tpu.memref_slice %arg2[%add3A_67, %dma_wait3A_70] : memref<320000x128xf32, #tpu.memory_space<hbm>> -> memref<128x128xf32, #tpu.memory_space<hbm>>
      %dma_wait3A_72 = arith.constant 0 : i32
      %dma_wait3A_73 = tpu.memref_slice %arg2[%add3A_67, %dma_wait3A_72] : memref<320000x128xf32, #tpu.memory_space<hbm>> -> memref<128x128xf32, #tpu.memory_space<hbm>>
      tpu.wait_dma2 semaphore(%arg14 : memref<!tpu.dma_semaphore, #tpu.memory_space<semaphore_mem>>) src(%dma_wait3A_73 : memref<128x128xf32, #tpu.memory_space<hbm>>) dst(%arg8 : memref<128x128xf32, #tpu.memory_space<vmem>>)
      %scan3A_74 = arith.constant 0 : i32
      %scan3A_75 = arith.constant 0 : i32
      %scan3A_76 = arith.constant 128 : i32
      %scan3A_77 = arith.addi %scan3A_75, %scan3A_76 : i32
      %scan3A_78 = arith.constant 1 : i32
      scf.for %scan3A_100 = %scan3A_75 to %scan3A_77 step %scan3A_78  : i32 {
        %get3A = arith.index_cast %scan3A_100 : i32 to index
        %get3A_101 = arith.constant 0 : index
        %get3A_102 = tpu.vector_load %arg8[%get3A, %get3A_101] {strides = array<i32>} : memref<128x128xf32, #tpu.memory_space<vmem>>, vector<1x16xf32>,
        %get3A_103 = vector.shape_cast %get3A_102 : vector<1x16xf32> to vector<16xf32>
        %add3A_104 = arith.addf %get3A_103, %select_n3A : vector<16xf32>
        %swap3A = arith.index_cast %scan3A_100 : i32 to index
        %swap3A_105 = arith.constant 0 : index
        %swap3A_106 = tpu.vector_load %arg8[%swap3A, %swap3A_105] {strides = array<i32>} : memref<128x128xf32, #tpu.memory_space<vmem>>, vector<1x16xf32>,
        %swap3A_107 = vector.shape_cast %swap3A_106 : vector<1x16xf32> to vector<16xf32>
        %swap3A_108 = vector.shape_cast %add3A_104 : vector<16xf32> to vector<1x16xf32>
        tpu.vector_store %arg8[%swap3A, %swap3A_105], %swap3A_108 {strides = array<i32>} : memref<128x128xf32, #tpu.memory_space<vmem>>, vector<1x16xf32>,
      }
      %scan3A_79 = arith.constant 128 : i32
      %dma_start3A_80 = arith.constant 0 : i32
      %dma_start3A_81 = arith.constant 0 : i32
      %dma_start3A_82 = tpu.memref_slice %arg6[%dma_start3A_80, %dma_start3A_81] : memref<10240x128xf32, #tpu.memory_space<vmem_shared>> -> memref<10240x128xf32, #tpu.memory_space<vmem_shared>>
      tpu.enqueue_indirect_dma source(%arg8 : memref<128x128xf32, #tpu.memory_space<vmem>>) target(%dma_start3A_82 : memref<10240x128xf32, #tpu.memory_space<vmem_shared>>) offsets(%arg11 : memref<128xi32, #tpu.memory_space<vmem>>) semaphore(%arg18 : memref<!tpu.dma_semaphore, #tpu.memory_space<semaphore_mem>>) {add = true}
      %dma_wait3A_83 = arith.constant 0 : i32
      %dma_wait3A_84 = arith.constant 0 : i32
      %dma_wait3A_85 = tpu.memref_slice %arg6[%dma_wait3A_83, %dma_wait3A_84] : memref<10240x128xf32, #tpu.memory_space<vmem_shared>> -> memref<10240x128xf32, #tpu.memory_space<vmem_shared>>
      tpu.wait_indirect_dma semaphore(%arg17 : memref<!tpu.dma_semaphore, #tpu.memory_space<semaphore_mem>>) src(%arg7 : memref<128x128xf32, #tpu.memory_space<vmem>>) dst(%dma_wait3A_85 : memref<10240x128xf32, #tpu.memory_space<vmem_shared>>)
      %add3A_86 = arith.constant 2 : i32
      %add3A_87 = arith.addi %mul3A_43, %add3A_86 : i32
      %lt3A = arith.constant 78 : i32
      %lt3A_88 = arith.cmpi slt, %add3A_87, %lt3A : i32
      %convert_element_type3A = arith.extui %lt3A_88 : i1 to i32
      %cond3A = arith.constant 0 : i32
      %cond3A_89 = arith.cmpi ne, %convert_element_type3A, %cond3A : i32
      scf.if %cond3A_89 {
        %add3A_100 = arith.constant 2 : i32
        %add3A_101 = arith.addi %mul3A_43, %add3A_100 : i32
        %mul3A_102 = arith.constant 128 : i32
        %mul3A_103 = arith.muli %add3A_101, %mul3A_102 : i32
        %add3A_104 = arith.addi %mul3A_7, %mul3A_103 : i32
        %dma_start3A_105 = tpu.memref_slice %arg3[%add3A_104] : memref<320000xi32, #tpu.memory_space<hbm>> -> memref<128xi32, #tpu.memory_space<hbm>>
        %dma_start3A_106 = tpu.memref_slice %arg3[%add3A_104] : memref<320000xi32, #tpu.memory_space<hbm>> -> memref<128xi32, #tpu.memory_space<hbm>>
        tpu.enqueue_dma source(%dma_start3A_106 : memref<128xi32, #tpu.memory_space<hbm>>) target(%arg10 : memref<128xi32, #tpu.memory_space<vmem>>) target_semaphore(%arg15 : memref<!tpu.dma_semaphore, #tpu.memory_space<semaphore_mem>>)
        %dma_start3A_107 = arith.constant 0 : i32
        %dma_start3A_108 = tpu.memref_slice %arg2[%add3A_104, %dma_start3A_107] : memref<320000x128xf32, #tpu.memory_space<hbm>> -> memref<128x128xf32, #tpu.memory_space<hbm>>
        %dma_start3A_109 = arith.constant 0 : i32
        %dma_start3A_110 = tpu.memref_slice %arg2[%add3A_104, %dma_start3A_109] : memref<320000x128xf32, #tpu.memory_space<hbm>> -> memref<128x128xf32, #tpu.memory_space<hbm>>
        tpu.enqueue_dma source(%dma_start3A_110 : memref<128x128xf32, #tpu.memory_space<hbm>>) target(%arg7 : memref<128x128xf32, #tpu.memory_space<vmem>>) target_semaphore(%arg13 : memref<!tpu.dma_semaphore, #tpu.memory_space<semaphore_mem>>)
      } else {
      }
      %dma_wait3A_90 = arith.constant 0 : i32
      %dma_wait3A_91 = arith.constant 0 : i32
      %dma_wait3A_92 = tpu.memref_slice %arg6[%dma_wait3A_90, %dma_wait3A_91] : memref<10240x128xf32, #tpu.memory_space<vmem_shared>> -> memref<10240x128xf32, #tpu.memory_space<vmem_shared>>
      tpu.wait_indirect_dma semaphore(%arg18 : memref<!tpu.dma_semaphore, #tpu.memory_space<semaphore_mem>>) src(%arg8 : memref<128x128xf32, #tpu.memory_space<vmem>>) dst(%dma_wait3A_92 : memref<10240x128xf32, #tpu.memory_space<vmem_shared>>)
      %add3A_93 = arith.constant 2 : i32
      %add3A_94 = arith.addi %add3A_47, %add3A_93 : i32
      %lt3A_95 = arith.constant 78 : i32
      %lt3A_96 = arith.cmpi slt, %add3A_94, %lt3A_95 : i32
      %convert_element_type3A_97 = arith.extui %lt3A_96 : i1 to i32
      %cond3A_98 = arith.constant 0 : i32
      %cond3A_99 = arith.cmpi ne, %convert_element_type3A_97, %cond3A_98 : i32
      scf.if %cond3A_99 {
        %add3A_100 = arith.constant 2 : i32
        %add3A_101 = arith.addi %add3A_47, %add3A_100 : i32
        %mul3A_102 = arith.constant 128 : i32
        %mul3A_103 = arith.muli %add3A_101, %mul3A_102 : i32
        %add3A_104 = arith.addi %mul3A_7, %mul3A_103 : i32
        %dma_start3A_105 = tpu.memref_slice %arg3[%add3A_104] : memref<320000xi32, #tpu.memory_space<hbm>> -> memref<128xi32, #tpu.memory_space<hbm>>
        %dma_start3A_106 = tpu.memref_slice %arg3[%add3A_104] : memref<320000xi32, #tpu.memory_space<hbm>> -> memref<128xi32, #tpu.memory_space<hbm>>
        tpu.enqueue_dma source(%dma_start3A_106 : memref<128xi32, #tpu.memory_space<hbm>>) target(%arg11 : memref<128xi32, #tpu.memory_space<vmem>>) target_semaphore(%arg16 : memref<!tpu.dma_semaphore, #tpu.memory_space<semaphore_mem>>)
        %dma_start3A_107 = arith.constant 0 : i32
        %dma_start3A_108 = tpu.memref_slice %arg2[%add3A_104, %dma_start3A_107] : memref<320000x128xf32, #tpu.memory_space<hbm>> -> memref<128x128xf32, #tpu.memory_space<hbm>>
        %dma_start3A_109 = arith.constant 0 : i32
        %dma_start3A_110 = tpu.memref_slice %arg2[%add3A_104, %dma_start3A_109] : memref<320000x128xf32, #tpu.memory_space<hbm>> -> memref<128x128xf32, #tpu.memory_space<hbm>>
        tpu.enqueue_dma source(%dma_start3A_110 : memref<128x128xf32, #tpu.memory_space<hbm>>) target(%arg8 : memref<128x128xf32, #tpu.memory_space<vmem>>) target_semaphore(%arg14 : memref<!tpu.dma_semaphore, #tpu.memory_space<semaphore_mem>>)
      } else {
      }
    }
    %scan3A_31 = arith.constant 39 : i32
    %add3A_32 = arith.constant 9984 : i32
    %add3A_33 = arith.addi %mul3A_7, %add3A_32 : i32
    "tpu.region"() ({
      %run_scoped3A = tpu.sem_alloc : memref<!tpu.dma_semaphore, #tpu.memory_space<semaphore_mem>>
      %dma_start3A_41 = tpu.memref_slice %arg3[%add3A_33] : memref<320000xi32, #tpu.memory_space<hbm>> -> memref<16xi32, #tpu.memory_space<hbm>>
      %dma_start3A_42 = tpu.memref_slice %arg3[%add3A_33] : memref<320000xi32, #tpu.memory_space<hbm>> -> memref<16xi32, #tpu.memory_space<hbm>>
      tpu.enqueue_dma source(%dma_start3A_42 : memref<16xi32, #tpu.memory_space<hbm>>) target(%arg12 : memref<16xi32, #tpu.memory_space<vmem>>) target_semaphore(%run_scoped3A : memref<!tpu.dma_semaphore, #tpu.memory_space<semaphore_mem>>)
      %dma_wait3A = tpu.memref_slice %arg3[%add3A_33] : memref<320000xi32, #tpu.memory_space<hbm>> -> memref<16xi32, #tpu.memory_space<hbm>>
      %dma_wait3A_43 = tpu.memref_slice %arg3[%add3A_33] : memref<320000xi32, #tpu.memory_space<hbm>> -> memref<16xi32, #tpu.memory_space<hbm>>
      tpu.wait_dma2 semaphore(%run_scoped3A : memref<!tpu.dma_semaphore, #tpu.memory_space<semaphore_mem>>) src(%dma_wait3A_43 : memref<16xi32, #tpu.memory_space<hbm>>) dst(%arg12 : memref<16xi32, #tpu.memory_space<vmem>>)
      tpu.yield
    }) : () -> ()
    "tpu.region"() ({
      %run_scoped3A = tpu.sem_alloc : memref<!tpu.dma_semaphore, #tpu.memory_space<semaphore_mem>>
      %dma_start3A_41 = arith.constant 0 : i32
      %dma_start3A_42 = tpu.memref_slice %arg2[%add3A_33, %dma_start3A_41] : memref<320000x128xf32, #tpu.memory_space<hbm>> -> memref<16x128xf32, #tpu.memory_space<hbm>>
      %dma_start3A_43 = arith.constant 0 : i32
      %dma_start3A_44 = tpu.memref_slice %arg2[%add3A_33, %dma_start3A_43] : memref<320000x128xf32, #tpu.memory_space<hbm>> -> memref<16x128xf32, #tpu.memory_space<hbm>>
      tpu.enqueue_dma source(%dma_start3A_44 : memref<16x128xf32, #tpu.memory_space<hbm>>) target(%arg9 : memref<16x128xf32, #tpu.memory_space<vmem>>) target_semaphore(%run_scoped3A : memref<!tpu.dma_semaphore, #tpu.memory_space<semaphore_mem>>)
      %dma_wait3A = arith.constant 0 : i32
      %dma_wait3A_45 = tpu.memref_slice %arg2[%add3A_33, %dma_wait3A] : memref<320000x128xf32, #tpu.memory_space<hbm>> -> memref<16x128xf32, #tpu.memory_space<hbm>>
      %dma_wait3A_46 = arith.constant 0 : i32
      %dma_wait3A_47 = tpu.memref_slice %arg2[%add3A_33, %dma_wait3A_46] : memref<320000x128xf32, #tpu.memory_space<hbm>> -> memref<16x128xf32, #tpu.memory_space<hbm>>
      tpu.wait_dma2 semaphore(%run_scoped3A : memref<!tpu.dma_semaphore, #tpu.memory_space<semaphore_mem>>) src(%dma_wait3A_47 : memref<16x128xf32, #tpu.memory_space<hbm>>) dst(%arg9 : memref<16x128xf32, #tpu.memory_space<vmem>>)
      tpu.yield
    }) : () -> ()
    %scan3A_34 = arith.constant 0 : i32
    %scan3A_35 = arith.constant 0 : i32
    %scan3A_36 = arith.constant 16 : i32
    %scan3A_37 = arith.addi %scan3A_35, %scan3A_36 : i32
    %scan3A_38 = arith.constant 1 : i32
    scf.for %scan3A_41 = %scan3A_35 to %scan3A_37 step %scan3A_38  : i32 {
      %get3A = arith.index_cast %scan3A_41 : i32 to index
      %get3A_42 = arith.constant 0 : index
      %get3A_43 = tpu.vector_load %arg9[%get3A, %get3A_42] {strides = array<i32>} : memref<16x128xf32, #tpu.memory_space<vmem>>, vector<1x16xf32>,
      %get3A_44 = vector.shape_cast %get3A_43 : vector<1x16xf32> to vector<16xf32>
      %add3A_45 = arith.addf %get3A_44, %select_n3A : vector<16xf32>
      %swap3A = arith.index_cast %scan3A_41 : i32 to index
      %swap3A_46 = arith.constant 0 : index
      %swap3A_47 = tpu.vector_load %arg9[%swap3A, %swap3A_46] {strides = array<i32>} : memref<16x128xf32, #tpu.memory_space<vmem>>, vector<1x16xf32>,
      %swap3A_48 = vector.shape_cast %swap3A_47 : vector<1x16xf32> to vector<16xf32>
      %swap3A_49 = vector.shape_cast %add3A_45 : vector<16xf32> to vector<1x16xf32>
      tpu.vector_store %arg9[%swap3A, %swap3A_46], %swap3A_49 {strides = array<i32>} : memref<16x128xf32, #tpu.memory_space<vmem>>, vector<1x16xf32>,
    }
    %scan3A_39 = arith.constant 16 : i32
    "tpu.region"() ({
      %run_scoped3A = tpu.sem_alloc : memref<!tpu.dma_semaphore, #tpu.memory_space<semaphore_mem>>
      %dma_start3A_41 = arith.constant 0 : i32
      %dma_start3A_42 = arith.constant 0 : i32
      %dma_start3A_43 = tpu.memref_slice %arg6[%dma_start3A_41, %dma_start3A_42] : memref<10240x128xf32, #tpu.memory_space<vmem_shared>> -> memref<10240x128xf32, #tpu.memory_space<vmem_shared>>
      tpu.enqueue_indirect_dma source(%arg9 : memref<16x128xf32, #tpu.memory_space<vmem>>) target(%dma_start3A_43 : memref<10240x128xf32, #tpu.memory_space<vmem_shared>>) offsets(%arg12 : memref<16xi32, #tpu.memory_space<vmem>>) semaphore(%run_scoped3A : memref<!tpu.dma_semaphore, #tpu.memory_space<semaphore_mem>>) {add = true}
      %dma_wait3A = arith.constant 0 : i32
      %dma_wait3A_44 = arith.constant 0 : i32
      %dma_wait3A_45 = tpu.memref_slice %arg6[%dma_wait3A, %dma_wait3A_44] : memref<10240x128xf32, #tpu.memory_space<vmem_shared>> -> memref<10240x128xf32, #tpu.memory_space<vmem_shared>>
      tpu.wait_indirect_dma semaphore(%run_scoped3A : memref<!tpu.dma_semaphore, #tpu.memory_space<semaphore_mem>>) src(%arg9 : memref<16x128xf32, #tpu.memory_space<vmem>>) dst(%dma_wait3A_45 : memref<10240x128xf32, #tpu.memory_space<vmem_shared>>)
      tpu.yield
    }) : () -> ()
    %barrier3A_40 = arith.constant 0 : index
    tpu.barrier barrier_id(%barrier3A_40)
    "tpu.region"() ({
      %run_scoped3A = tpu.sem_alloc : memref<!tpu.dma_semaphore, #tpu.memory_space<semaphore_mem>>
      %dma_start3A_41 = arith.constant 0 : i32
      %dma_start3A_42 = tpu.memref_slice %arg5[%add3A_5, %dma_start3A_41] : memref<20480x128xf32, #tpu.memory_space<hbm>> -> memref<640x128xf32, #tpu.memory_space<hbm>>
      %dma_start3A_43 = arith.constant 0 : i32
      %dma_start3A_44 = tpu.memref_slice %arg6[%mul3A_2, %dma_start3A_43] : memref<10240x128xf32, #tpu.memory_space<vmem_shared>> -> memref<640x128xf32, #tpu.memory_space<vmem_shared>>
      tpu.enqueue_dma source(%dma_start3A_44 : memref<640x128xf32, #tpu.memory_space<vmem_shared>>) target(%dma_start3A_42 : memref<640x128xf32, #tpu.memory_space<hbm>>) target_semaphore(%run_scoped3A : memref<!tpu.dma_semaphore, #tpu.memory_space<semaphore_mem>>)
      %dma_wait3A = arith.constant 0 : i32
      %dma_wait3A_45 = tpu.memref_slice %arg5[%add3A_5, %dma_wait3A] : memref<20480x128xf32, #tpu.memory_space<hbm>> -> memref<640x128xf32, #tpu.memory_space<hbm>>
      %dma_wait3A_46 = arith.constant 0 : i32
      %dma_wait3A_47 = tpu.memref_slice %arg6[%mul3A_2, %dma_wait3A_46] : memref<10240x128xf32, #tpu.memory_space<vmem_shared>> -> memref<640x128xf32, #tpu.memory_space<vmem_shared>>
      tpu.wait_dma2 semaphore(%run_scoped3A : memref<!tpu.dma_semaphore, #tpu.memory_space<semaphore_mem>>) src(%dma_wait3A_47 : memref<640x128xf32, #tpu.memory_space<vmem_shared>>) dst(%dma_wait3A_45 : memref<640x128xf32, #tpu.memory_space<hbm>>)
      tpu.yield
    }) : () -> ()
    return
  }
}

module attributes {stable_mosaic.version = 14 : i64} {
  func.func @body(%arg0: i32, %arg1: memref<2x2000x128xf32, #tpu.memory_space<vmem>>, %arg2: memref<2000x128xf32, #tpu.memory_space<vmem>>, %arg3: memref<256x128xf32, #tpu.memory_space<vmem>>, %arg4: memref<1x128xf32, #tpu.memory_space<vmem>>, %arg5: memref<2000x128xf32, #tpu.memory_space<vmem>>) attributes {dimension_semantics = [#tpu.dimension_semantics<arbitrary>], iteration_bounds = array<i64: 5>, scalar_prefetch = 0 : i64, scratch_operands = 0 : i64, tpu.core_type = #tpu.core_type<tc>, window_params = [{transform_indices = @transform_0, window_bounds = array<i64: 2, 2000, 128>}, {transform_indices = @transform_1, window_bounds = array<i64: 2000, 128>}, {pipeline_mode = #tpu.pipeline_mode<synchronous>, transform_indices = @transform_2, window_bounds = array<i64: 256, 128>}, {pipeline_mode = #tpu.pipeline_mode<synchronous>, transform_indices = @transform_3, window_bounds = array<i64: 1, 128>}, {transform_indices = @transform_4, window_bounds = array<i64: 2000, 128>}]} {
    %get3A = arith.constant 0 : index
    %get3A_0 = arith.constant 0 : index
    %get3A_1 = arith.constant 0 : index
    %get3A_2 = vector.load %arg1[%get3A, %get3A_0, %get3A_1] : memref<2x2000x128xf32, #tpu.memory_space<vmem>>, vector<1x2000x128xf32>
    %get3A_3 = vector.shape_cast %get3A_2 : vector<1x2000x128xf32> to vector<2000x128xf32>
    %get3A_4 = arith.constant 1 : index
    %get3A_5 = arith.constant 0 : index
    %get3A_6 = arith.constant 0 : index
    %get3A_7 = vector.load %arg1[%get3A_4, %get3A_5, %get3A_6] : memref<2x2000x128xf32, #tpu.memory_space<vmem>>, vector<1x2000x128xf32>
    %get3A_8 = vector.shape_cast %get3A_7 : vector<1x2000x128xf32> to vector<2000x128xf32>
    %add3A = arith.addf %get3A_3, %get3A_8 : vector<2000x128xf32>
    %slice3A = vector.extract_strided_slice %add3A {offsets = [0, 0], sizes = [2000, 1], strides = [1, 1]} : vector<2000x128xf32> to vector<2000x1xf32>
    %mul3A = arith.constant 2.44140625E-4 : f32
    %mul3A_9 = vector.broadcast %mul3A : f32 to vector<2000x1xf32>
    %mul3A_10 = arith.mulf %slice3A, %mul3A_9 : vector<2000x1xf32>
    %round3A = math.roundeven %mul3A_10 : vector<2000x1xf32>
    %max3A = arith.constant 1.000000e+00 : f32
    %max3A_11 = vector.broadcast %max3A : f32 to vector<2000x1xf32>
    %max3A_12 = arith.maximumf %round3A, %max3A_11 : vector<2000x1xf32>
    %slice3A_13 = vector.extract_strided_slice %add3A {offsets = [0, 0], sizes = [2000, 1], strides = [1, 1]} : vector<2000x128xf32> to vector<2000x1xf32>
    %mul3A_14 = arith.constant 4.096000e+03 : f32
    %mul3A_15 = vector.broadcast %mul3A_14 : f32 to vector<2000x1xf32>
    %mul3A_16 = arith.mulf %mul3A_15, %round3A : vector<2000x1xf32>
    %sub3A = arith.subf %slice3A_13, %mul3A_16 : vector<2000x1xf32>
    %div3A = arith.divf %sub3A, %max3A_12 : vector<2000x1xf32>
    %slice3A_17 = vector.extract_strided_slice %add3A {offsets = [0, 1], sizes = [2000, 127], strides = [1, 1]} : vector<2000x128xf32> to vector<2000x127xf32>
    %div3A_18 = vector.broadcast %max3A_12 : vector<2000x1xf32> to vector<2000x127xf32>
    %div3A_19 = arith.divf %slice3A_17, %div3A_18 : vector<2000x127xf32>
    %concatenate3A = tpu.concatenate %div3A, %div3A_19 in 1 : vector<2000x1xf32>, vector<2000x127xf32> -> vector<2000x128xf32>
    %get3A_20 = arith.constant 0 : index
    %get3A_21 = arith.constant 0 : index
    %get3A_22 = vector.load %arg3[%get3A_20, %get3A_21] : memref<256x128xf32, #tpu.memory_space<vmem>>, vector<128x128xf32>
    %dot_general3A = arith.constant dense<0.000000e+00> : vector<2000x128xf32>
    %dot_general3A_23 = tpu.matmul %concatenate3A, %get3A_22, %dot_general3A {dimension_numbers = #tpu.dot_dimension_numbers<[1], [0], [0], [1], [0, 0, 1, 1], [], []>, transpose_lhs_hint = false} : vector<2000x128xf32>, vector<128x128xf32>, vector<2000x128xf32> -> vector<2000x128xf32>
    %get3A_24 = arith.constant 0 : index
    %get3A_25 = arith.constant 0 : index
    %get3A_26 = vector.load %arg2[%get3A_24, %get3A_25] : memref<2000x128xf32, #tpu.memory_space<vmem>>, vector<2000x128xf32>
    %get3A_27 = arith.constant 128 : index
    %get3A_28 = arith.constant 0 : index
    %get3A_29 = vector.load %arg3[%get3A_27, %get3A_28] : memref<256x128xf32, #tpu.memory_space<vmem>>, vector<128x128xf32>
    %dot_general3A_30 = arith.constant dense<0.000000e+00> : vector<2000x128xf32>
    %dot_general3A_31 = tpu.matmul %get3A_26, %get3A_29, %dot_general3A_30 {dimension_numbers = #tpu.dot_dimension_numbers<[1], [0], [0], [1], [0, 0, 1, 1], [], []>, transpose_lhs_hint = false} : vector<2000x128xf32>, vector<128x128xf32>, vector<2000x128xf32> -> vector<2000x128xf32>
    %add3A_32 = arith.addf %dot_general3A_23, %dot_general3A_31 : vector<2000x128xf32>
    %get3A_33 = arith.constant 0 : index
    %get3A_34 = arith.constant 0 : index
    %get3A_35 = vector.load %arg4[%get3A_33, %get3A_34] : memref<1x128xf32, #tpu.memory_space<vmem>>, vector<1x128xf32>
    %add3A_36 = vector.broadcast %get3A_35 : vector<1x128xf32> to vector<2000x128xf32>
    %add3A_37 = arith.addf %add3A_32, %add3A_36 : vector<2000x128xf32>
    %swap3A = arith.constant 0 : index
    %swap3A_38 = arith.constant 0 : index
    %swap3A_39 = vector.load %arg5[%swap3A, %swap3A_38] : memref<2000x128xf32, #tpu.memory_space<vmem>>, vector<2000x128xf32>
    tpu.vector_store %arg5[%swap3A, %swap3A_38], %add3A_37 {strides = array<i32>} : memref<2000x128xf32, #tpu.memory_space<vmem>>, vector<2000x128xf32>,
    return
  }
  func.func @transform_0(%arg0: i32) -> (i32, i32, i32) {
    %c0_i32 = arith.constant 0 : i32
    %c0_i32_0 = arith.constant 0 : i32
    %c0_i32_1 = arith.constant 0 : i32
    return %c0_i32, %arg0, %c0_i32_0 : i32, i32, i32
  }
  func.func @transform_1(%arg0: i32) -> (i32, i32) {
    %c0_i32 = arith.constant 0 : i32
    %c0_i32_0 = arith.constant 0 : i32
    return %arg0, %c0_i32 : i32, i32
  }
  func.func @transform_2(%arg0: i32) -> (i32, i32) {
    %c0_i32 = arith.constant 0 : i32
    %c0_i32_0 = arith.constant 0 : i32
    %c0_i32_1 = arith.constant 0 : i32
    return %c0_i32, %c0_i32_0 : i32, i32
  }
  func.func @transform_3(%arg0: i32) -> (i32, i32) {
    %c0_i32 = arith.constant 0 : i32
    %c0_i32_0 = arith.constant 0 : i32
    %c0_i32_1 = arith.constant 0 : i32
    return %c0_i32, %c0_i32_0 : i32, i32
  }
  func.func @transform_4(%arg0: i32) -> (i32, i32) {
    %c0_i32 = arith.constant 0 : i32
    %c0_i32_0 = arith.constant 0 : i32
    return %arg0, %c0_i32 : i32, i32
  }
}

</mosaic_0001>

<sc_bundles>
// kernel: kernel.4.cloned.1.call-start
scs
__scs_entry_jumppad:
0x0: {  	(pc) =	sbr.rel $0x88, $3  }
0x1: {  	(tag) =	ssettag $0x0;
	lr =	simm.s32 $0x1  }
0x2: {  	[smem:$0x3F9C] =	sst lr;
	_ =	strace $0xD0000000  }
0x3: {  	_ = 	snop  }
0x4: {  	_ = 	snop  }
0x5: {  	_ = 	snop  }
0x6: {  	_ = 	snop  }
0x7: {  	_ = 	snop  }
__scs_overlays_trampoline_lowered:
0x8: {  	[smem:$0x3FAB] =	sst s0  }
0x9: {  	[smem:$0x3FAC] =	sst s1  }
0xa: {  	[smem:$0x3FAD] =	sst s2  }
0xb: {  	[smem:$0x3FAE] =	sst s3  }
0xc: {  	[smem:$0x3FAF] =	sst s4  }
0xd: {  	[smem:$0x3FB0] =	sst s5  }
0xe: {  	[smem:$0x3FB1] =	sst s6  }
0xf: {  	[smem:$0x3FB2] =	sst s7  }
0x10: {  	[smem:$0x3FB3] =	sst s8  }
0x11: {  	[smem:$0x3FB4] =	sst s9;
	s0 =	simm.s32 @!p0 $0x0  }
0x12: {  	s1 =	sld [smem:$0x3F9A];
	s0 =	simm.s32 @p0 $0x1  }
0x13: {  	[smem:$0x3FB5] =	sst s0;
	s0 =	simm.s32 @!p1 $0x0  }
0x14: {  	s2 =	sld [smem:$0x3F99];
	s0 =	simm.s32 @p1 $0x1  }
0x15: {  	[smem:$0x3FB6] =	sst s0;
	s0 =	simm.s32 @!p2 $0x0  }
0x16: {  	s3 =	sld [smem:$0x3FDB];
	s0 =	simm.s32 @p2 $0x1  }
0x17: {  	s4 =	simm.s32 $0x1BF5;
	[smem:$0x3FB8] =	sst s0  }
0x18: {  	s0 =	sld [smem:$0x3F9B];
	_ =	swait.ge [sflag:s4], $0x0  }
0x19: {  	s7 =	sld [smem:$0x3F9C]  }
0x1a: {  	s8 =	sadd.s32 $0xFFFFE003, lr  }
0x1b: {  	s9 =	sadd.s32 $0xFFFFFEF7, lr;
	s5 =	simm.s32 $0xFFFFFFFF;
	p2 =	slt.u32 s8, $0xFFFFF086  }
0x1c: {  	p1 =	slt.u32 s9, $0xF7A;
	s5 =	simm.s32 @!p2 $0x0  }
0x1d: {  	s5 =	simm.s32 @p1 $0x1;
	p0 =	seq.s32 s7, s2  }
0x1e: {  	s7 =	smul.u32 @!p0 $0xF7A, s2;
	p2 =	seq.s32 @!p0 s5, $0x0  }
0x1f: {  	s9 =	smul.u32 $0xF7A, s1;
	s8 =	simm.s32 @!p0 $0x1BF5;
	p2 =	por !p2, p0  }
0x20: {  	[sflag:s8] =	ssyncset.s32 @!p0 $0xFFFFF086;
	s6 =	sadd.s32 @!p0 s3, s7;
	s7 =	simm.s32 @!p0 $0x108  }
0x21: {  	s3 =	sadd.s32 s3, s9;
	s6 =	sadd.s32 @!p0 $0x88, s6;
	s7 =	simm.s32 @p2 $0x1082  }
0x22: {  	[simem:s7], [sflag:s8] =	dma.local @!p0 [hbm:s6], $0xF7A  }
0x23: {  	s9 =	sor.u32 $0xD0000000, s2;
	s6 =	simm.s32 $0x108;
	_ =	swait.ge @!p0 [sflag:s8], $0x0  }
0x24: {  	s3 =	sadd.s32 $0x88, s3;
	s6 =	simm.s32 @!p1 $0x1082;
	[sflag:s4] =	ssyncset.s32 $0xFFFFF086  }
0x25: {  	[simem:s6], [sflag:s4] =	dma.local [hbm:s3], $0xF7A  }
0x26: {  	[smem:$0x3F9C] =	sst s1;
	(tag) =	ssettag s2;
	_ =	strace s9  }
0x27: {  	s1 =	sld [smem:$0x3FAC]  }
0x28: {  	s2 =	sld [smem:$0x3FAD]  }
0x29: {  	s4 =	sld [smem:$0x3FAF]  }
0x2a: {  	p0 =	seq.s32 s5, $0x0;
	s5 =	sld [smem:$0x3FB0]  }
0x2b: {  	s6 =	sld [smem:$0x3FB1]  }
0x2c: {  	s7 =	sld [smem:$0x3FB2]  }
0x2d: {  	s3 =	simm.s32 $0x108;
	s8 =	sld [smem:$0x3FB3]  }
0x2e: {  	s3 =	simm.s32 @!p0 $0x1082;
	s9 =	sld [smem:$0x3FB4]  }
0x2f: {  	lr =	sadd.s32 s0, s3;
	s0 =	sld [smem:$0x3FAB]  }
0x30: {  	s3 =	sld [smem:$0x3FAE]  }
0x31: {  	[smem:$0x3FB7] =	sst s10  }
0x32: {  	s10 =	sld [smem:$0x3FB5];
	_ =	sdelay $0x3  }
0x33: {  	p0 =	seq.s32 s10, $0x1;
	s10 =	sld [smem:$0x3FB7];
	_ =	sdelay $0x3  }
0x34: {  	[smem:$0x3FB7] =	sst s10  }
0x35: {  	s10 =	sld [smem:$0x3FB6];
	_ =	sdelay $0x3  }
0x36: {  	p1 =	seq.s32 s10, $0x1;
	s10 =	sld [smem:$0x3FB7];
	_ =	sdelay $0x3  }
0x37: {  	[smem:$0x3FB7] =	sst s10  }
0x38: {  	s10 =	sld [smem:$0x3FB8]  }
0x39: {  	_ = 	snop;
	(pc) =	sbr.ind lr, $3  }
0x3a: {  	_ = 	snop  }
0x3b: {  	_ = 	snop  }
0x3c: {  	p2 =	seq.s32 s10, $0x1;
	s10 =	sld [smem:$0x3FB7]  }
0x3d: {  	_ =	shalt  }
0x3e: {  	_ =	shalt  }
0x3f: {  	_ =	shalt  }
0x40: {  	_ =	shalt  }
0x41: {  	_ =	shalt  }
0x42: {  	_ =	shalt  }
0x43: {  	_ =	shalt  }
0x44: {  	_ =	shalt  }
0x45: {  	_ =	shalt  }
0x46: {  	_ =	shalt  }
0x47: {  	_ =	shalt  }
0x48: {  	_ =	shalt  }
0x49: {  	_ =	shalt  }
0x4a: {  	_ =	shalt  }
0x4b: {  	_ =	shalt  }
0x4c: {  	_ =	shalt  }
0x4d: {  	_ =	shalt  }
0x4e: {  	_ =	shalt  }
0x4f: {  	_ =	shalt  }
0x50: {  	_ =	shalt  }
0x51: {  	_ =	shalt  }
0x52: {  	_ =	shalt  }
0x53: {  	_ =	shalt  }
0x54: {  	_ =	shalt  }
0x55: {  	_ =	shalt  }
0x56: {  	_ =	shalt  }
0x57: {  	_ =	shalt  }
0x58: {  	_ =	shalt  }
0x59: {  	_ =	shalt  }
0x5a: {  	_ =	shalt  }
0x5b: {  	_ =	shalt  }
0x5c: {  	_ =	shalt  }
0x5d: {  	_ =	shalt  }
0x5e: {  	_ =	shalt  }
0x5f: {  	_ =	shalt  }
0x60: {  	_ =	shalt  }
0x61: {  	_ =	shalt  }
0x62: {  	_ =	shalt  }
0x63: {  	_ =	shalt  }
0x64: {  	_ =	shalt  }
0x65: {  	_ =	shalt  }
0x66: {  	_ =	shalt  }
0x67: {  	_ =	shalt  }
0x68: {  	_ =	shalt  }
0x69: {  	_ =	shalt  }
0x6a: {  	_ =	shalt  }
0x6b: {  	_ =	shalt  }
0x6c: {  	_ =	shalt  }
0x6d: {  	_ =	shalt  }
0x6e: {  	_ =	shalt  }
0x6f: {  	_ =	shalt  }
0x70: {  	_ =	shalt  }
0x71: {  	_ =	shalt  }
0x72: {  	_ =	shalt  }
0x73: {  	_ =	shalt  }
0x74: {  	_ =	shalt  }
0x75: {  	_ =	shalt  }
0x76: {  	_ =	shalt  }
0x77: {  	_ =	shalt  }
0x78: {  	_ =	shalt  }
0x79: {  	_ =	shalt  }
0x7a: {  	_ =	shalt  }
0x7b: {  	_ =	shalt  }
0x7c: {  	_ =	shalt  }
0x7d: {  	_ =	shalt  }
0x7e: {  	_ =	shalt  }
0x7f: {  	_ =	shalt  }
0x80: {  	_ =	shalt  }
0x81: {  	_ =	shalt  }
0x82: {  	_ =	shalt  }
0x83: {  	_ =	shalt  }
0x84: {  	_ =	shalt  }
0x85: {  	_ =	shalt  }
0x86: {  	_ =	shalt  }
0x87: {  	_ =	shalt  }
.Lfunc_end0:
.L_simem_size_0:
called_computation_lowered:
.L_overlay_start_0:
0x88: {  	s2 =	sld [smem:$0x3FD9]  }
0x89: {  	s3 =	sld [smem:$0x3FFE];
	_ =	sdelay $0x1  }
0x8a: {  	s1 =	srdreg.scid  }
0x8b: {  	s0 =	sand.u32 $0x1, s1  }
0x8c: {  	s17 =	sshll.u32 s0, $0xA;
	s2 =	sadd.s32 s3, s2  }
0x8d: {  	s2 =	sadd.s32 s2, s17  }
0x8e: {  	[smem:$0x3FC3] =	sst s2  }
0x8f: {  	_ = 	snop  }
0x90: {  	s2 =	sld [smem:$0x3FC8]  }
0x91: {  	s18 =	sld [smem:$0x3FD0];
	(tm) =	ssettm $0x1  }
0x92: {  	s4 =	sld [smem:$0x3FFB];
	_ =	sdelay $0x3  }
0x93: {  	_ =	strace s4  }
0x94: {  	s4 =	sld [smem:$0x3FFC];
	_ =	sdelay $0x3  }
0x95: {  	_ =	strace s4  }
0x96: {  	s4 =	sld [smem:$0x3FFD];
	_ =	sdelay $0x3  }
0x97: {  	_ =	strace s4  }
0x98: {  	_ =	strace $0x8FFFFFFF  }
0x99: {  	s19 =	sld [smem:$0x3FDB];
	_ =	sdelay $0x1  }
0x9a: {  	s5 =	simm.s32 $_scs_section_size  }
0x9b: {  	s6 =	simm.s32 $_size__tile_overlayer_lowered;
	s7 =	simm.s32 $_tile_overlayer_lowered  }
0x9c: {  	s22 =	simm.s32 $0x1BFF;
	s21 =	sshll.u32 s7, $0x1;
	s4 =	sadd.s32 s5, s19  }
0x9d: {  	s8 =	simm.s32 $0x0;
	s20 =	sshll.u32 s6, $0x1;
	s6 =	sadd.s32 s21, s4  }
0x9e: {  	[timem:s8], [sflag:s22] =	dma.local [hbm:s6], s20  }
0x9f: {  	_ =	swait.ge [sflag:s22], s20  }
0xa0: {  	s5 =	ssub.s32 $0x0, s20;
	[sflag:s22] =	ssyncset.done $0x0  }
0xa1: {  	[sflag:s22] =	ssyncadd.s32 s5;
	_ =	sdelay $0x1  }
0xa2: {  	s23 =	simm.s32 $0x1B8B  }
0xa3: {  	_ =	swait.ge [sflag:s23], $0x1  }
0xa4: {  	[sflag:s23] =	ssyncset.done $0x0  }
0xa5: {  	s25 =	simm.s32 $0x1B8E;
	s24 =	sld [smem:$0x3FFE];
	[sflag:s23] =	ssyncadd.s32 $0xFFFFFFFF  }
0xa6: {  	s26 =	simm.s32 $execute0_lowered;
	[smem:$0x3FD2] =	sst s25  }
0xa7: {  	s6 =	sshll.u32 s26, $0x1;
	_ =	strace $0x80000046;
	[dreg:$0x1] =	wrdreg $0xFFFFFFFF  }
0xa8: {  	s28 =	simm.s32 $_size_execute0_lowered;
	s4 =	sadd.s32 s4, s6;
	[dreg:$0x0] =	wrdreg $0x0  }
0xa9: {  	s6 =	sshll.u32 s28, $0x1;
	[dreg:$0x2] =	wrdreg s4  }
0xaa: {  	[dreg:$0x3] =	wrdreg s6  }
0xab: {  	[dreg:$0x4] =	wrdreg $0xC0  }
0xac: {  	_ =	task [dreg:s8], $0x5FFFF  }
0xad: {  	[dreg:$0x1] =	wrdreg $0xFFFFFFFF  }
0xae: {  	[dreg:$0x0] =	wrdreg $0x60  }
0xaf: {  	[dreg:$0x2] =	wrdreg s2  }
0xb0: {  	[dreg:$0x3] =	wrdreg s18  }
0xb1: {  	[dreg:$0x4] =	wrdreg s24  }
0xb2: {  	[dreg:$0x5] =	wrdreg $0x0  }
0xb3: {  	[dreg:$0x6] =	wrdreg $0x9  }
0xb4: {  	_ =	task.clear_ibuf [dreg:s8], $0x7FFFF;
	_ =	strace $0x90000046  }
0xb5: {  	s29 =	simm.s32 $0x9;
	_ =	strace $0x80000048  }
0xb6: {  	_ =	swait.ge [sflag:s29], $0x1  }
0xb7: {  	[sflag:s29] =	ssyncadd.s32 $0xFFFFFFFF  }
0xb8: {  	_ =	strace $0x90000048  }
0xb9: {  	_ =	sfence  }
0xba: {  	s30 =	sld [smem:$0x0];
	_ =	sdelay $0x2  }
0xbb: {  	s31 =	sshll.u32 s1, $0xD;
	s1 =	sshrl.u32 s1, $0x2  }
0xbc: {  	s3 =	sand.u32 $0x4000, s31;
	s1 =	sadd.s32 s1, s30  }
0xbd: {  	s0 =	sor.u32 s3, s0;
	s1 =	sshll.u32 s1, $0x11  }
0xbe: {  	s0 =	sor.u32 s1, s0  }
0xbf: {  	s0 =	sadd.s32 $0x8F2B, s0  }
0xc0: {  	[sflag:s0] =	ssyncadd.remote.s32 $0x1  }
0xc1: {  	_ =	sfence.sel $0xFFFF  }
0xc2: {  	[dreg:$0x0] =	wrdreg $0xFFFFFFFF;
	(pc) =	sbr.abs _section_cstart, $3  }
0xc3: {  	[dreg:$0x1] =	wrdreg $0xFFFFFFFF  }
0xc4: {  	_ =	task.clear_ibuf [dreg:s8], $0x2FFFF;
	_ =	strace $0x9FFFFFFF  }
0xc5: {  	(tm) =	ssettm $0x7FFFFFFF  }
tec
execute0_lowered:
.L_overlay_start_1:
0x0: {  	(tag) =	ssettag $0x1  }
0x1: {  	s1 =	rddreg [dreg:$0x0]  }
0x2: {  	s2 =	rddreg [dreg:$0x1]  }
0x3: {  	s0 =	rddreg [dreg:$0x2]  }
0x4: {  	s4 =	rddreg [dreg:$0x3]  }
0x5: {  	s3 =	srdreg.scid;
	s10 =	stileid.u32  }
0x6: {  	s5 =	simm.s32 $0x0;
	s28 =	simm.s32 $0x4;
	s29 =	simm.s32 $0x2  }
0x7: {  	s30 =	simm.s32 $0x5;
	s31 =	simm.s32 $0x6;
	s6 =	smul.u32 $0x2800, s10  }
0x8: {  	s3 =	sand.u32 $0x1, s3;
	[smem:$0x7FF] =	sst s5;
	s17 =	smul.u32 $0x50000, s10  }
0x9: {  	s8 =	sadd.s32 $0x800, s0;
	s20 =	sshll.u32 s10, $0x6;
	s7 =	smul.u32 $0x28000, s3  }
0xa: {  	_ =	strace $0x80000047;
	s16 =	sshll.u32 s3, $0x4;
	s3 =	ssub.s32 $0x2, s3  }
0xb: {  	[dreg:$0x5] =	wrdreg s8;
	s18 =	sor.u32 s10, s16;
	s19 =	sshrl.u32 s3, $0x1  }
0xc: {  	s8 =	sshrl.u32 s17, $0x2;
	s6 =	sadd.s32 s6, s7;
	s9 =	smul.u32 $0x2710, s18  }
0xd: {  	s3 =	ssub.s32 s3, s19;
	s8 =	sadd.s32 s8, s4;
	s7 =	sor.u32 $0x1C07, s20  }
0xe: {  	s19 =	simm.s32 $0x7;
	s20 =	simm.s32 $0x1C800;
	s0 =	sadd.s32 s6, s0  }
0xf: {  	s6 =	smul.u32 $0x27100, s18;
	s17 =	smax.u32 s3, $0x1;
	s18 =	sshrl.u32 s8, $0x3  }
0x10: {  	s3 =	simm.s32 $0x1C000;
	s21 =	sshrl.u32 s9, $0x3;
	s11 =	sadd.s32 $0x80, s9  }
0x11: {  	s12 =	sadd.s32 $0x100, s9;
	s25 =	sadd.s32 $0x2700, s9;
	s13 =	sadd.s32 $0x180, s9  }
0x12: {  	s16 =	sadd.s32 $0x3000, s0;
	s0 =	simm.s32 $0x1C900;
	s10 =	sadd.s32 s2, s21  }
0x13: {  	s22 =	sshrl.u32 s11, $0x3;
	s6 =	sadd.s32 s1, s6;
	s24 =	sshll.u32 s11, $0x4  }
0x14: {  	s26 =	sshrl.u32 s25, $0x3;
	s21 =	simm.s32 $0x14000;
	[dreg:$0x6] =	wrdreg s10  }
.Ltmp0:
0x15: {  	[dreg:$0x7] =	wrdreg s6;
	s23 =	sadd.s32 s2, s22;
	(pc) =	sbr.rel .LBB2_1-.Ltmp0, $4  }
0x16: {  	s6 =	sadd.s32 s1, s24;
	s14 =	sadd.s32 s2, s26;
	s22 =	simm.s32 $0x1C880  }
0x17: {  	s24 =	simm.s32 $0x3;
	s26 =	simm.s32 $0x80;
	[dreg:$0x8] =	wrdreg s23  }
0x18: {  	v0 =	vimm.f32 $0.0e+00;
	vm0 =	vcmask $0x300;
	[dreg:$0x9] =	wrdreg s6;
	s6 =	sshll.u32 s25, $0x4;
	s23 =	simm.s32 $0x18000  }
0x19: {  	v0 =	vsel vm0, $0x45800000, v0;
	s25 =	simm.s32 $0x1;
	s15 =	sadd.s32 s1, s6;
	s6 =	simm.s32 $0x0  }
.LBB2_8:
0x1a: {  	_ =	swait.ge [sflag:s31], $0x4000  }
0x1b: {  	[sflag:s31] =	ssyncset.done $0x0  }
0x1c: {  	[sflag:s31] =	ssyncadd.s32 $0xFFFFC000  }
0x1d: {  	[tilespmem:s0], [sflag:$0x7] =	stream.linear.gather [hbm4b:s14+s5], $0x10, $0x38;
	[tilespmem:$0x1C980] =	vst v63  }
0x1e: {  	_ =	swait.ge [sflag:s19], $0x10  }
0x1f: {  	[sflag:s19] =	ssyncset.done $0x0  }
0x20: {  	[sflag:s19] =	ssyncadd.s32 $0xFFFFFFF0  }
0x21: {  	[tilespmem:s3], [sflag:$0x7] =	stream.linear.gather [hbm4b:s15+s5], $0x800, $0x38;
	[tilespmem:$0x1C980] =	vst v63  }
0x22: {  	_ =	swait.ge [sflag:s19], $0x800  }
0x23: {  	[sflag:s19] =	ssyncset.done $0x0  }
0x24: {  	[sflag:s19] =	ssyncadd.s32 $0xFFFFF800  }
0x25: {  	v1 =	vld [tilespmem:$0x1C000]  }
0x26: {  	v2 =	vld [tilespmem:$0x1C080]  }
0x27: {  	v3 =	vld [tilespmem:$0x1C100]  }
0x28: {  	v4 =	vld [tilespmem:$0x1C180]  }
0x29: {  	v5 =	vld [tilespmem:$0x1C200]  }
0x2a: {  	v6 =	vld [tilespmem:$0x1C280];
	v1 =	vadd.f32 v0, v1  }
0x2b: {  	v7 =	vld [tilespmem:$0x1C300];
	v2 =	vadd.f32 v0, v2  }
0x2c: {  	[tilespmem:$0x1C000] =	vst v1;
	v1 =	vadd.f32 v0, v3;
	v3 =	vld [tilespmem:$0x1C380]  }
0x2d: {  	v57 =	vld [tilespmem:$0x1C400];
	[tilespmem:$0x1C080] =	vst v2;
	v2 =	vadd.f32 v0, v4  }
0x2e: {  	v58 =	vld [tilespmem:$0x1C480];
	[tilespmem:$0x1C100] =	vst v1;
	v1 =	vadd.f32 v0, v5  }
0x2f: {  	v59 =	vld [tilespmem:$0x1C500];
	[tilespmem:$0x1C180] =	vst v2;
	v2 =	vadd.f32 v0, v6  }
0x30: {  	v60 =	vld [tilespmem:$0x1C580];
	[tilespmem:$0x1C200] =	vst v1;
	v1 =	vadd.f32 v0, v7  }
0x31: {  	[tilespmem:$0x1C280] =	vst v2;
	v2 =	vadd.f32 v0, v3;
	v3 =	vld [tilespmem:$0x1C600]  }
0x32: {  	v61 =	vld [tilespmem:$0x1C680];
	[tilespmem:$0x1C300] =	vst v1;
	v1 =	vadd.f32 v0, v57  }
0x33: {  	v62 =	vld [tilespmem:$0x1C700];
	[tilespmem:$0x1C380] =	vst v2;
	v2 =	vadd.f32 v0, v58  }
0x34: {  	v63 =	vld [tilespmem:$0x1C780];
	[tilespmem:$0x1C400] =	vst v1;
	v1 =	vadd.f32 v0, v59  }
0x35: {  	[tilespmem:$0x1C480] =	vst v2;
	v2 =	vadd.f32 v0, v60  }
0x36: {  	[tilespmem:$0x1C500] =	vst v1;
	v1 =	vadd.f32 v0, v3  }
0x37: {  	[tilespmem:$0x1C580] =	vst v2;
	v2 =	vadd.f32 v0, v61  }
0x38: {  	[tilespmem:$0x1C600] =	vst v1;
	v1 =	vadd.f32 v0, v62  }
0x39: {  	[tilespmem:$0x1C680] =	vst v2;
	v2 =	vadd.f32 v0, v63  }
0x3a: {  	[tilespmem:$0x1C700] =	vst v1  }
0x3b: {  	s8 =	simm.s32 $0x10;
	[tilespmem:$0x1C780] =	vst v2  }
0x3c: {  	[spmem:s4] =	stream.indirect.scatter.add.f32 [tilespmem:s3], [sflag:$0x7], $0x80, s0, s8, $0xb8;
	[tilespmem:$0x1C980] =	vst v63  }
0x3d: {  	_ =	swait.ge [sflag:s19], $0x800  }
0x3e: {  	s6 =	sadd.s32 $0x1, s6;
	[sflag:s19] =	ssyncset.done $0x0  }
0x3f: {  	p0 =	sne.s32 s6, s17;
	[sflag:s19] =	ssyncadd.s32 $0xFFFFF800  }
.Ltmp1:
0x40: {  	[bflag:$0x0] =	sbarrier.arrive $0xFFFF;
	(pc) =	sbr.rel @!p0 .LBB2_9-.Ltmp1, $4  }
0x41: {  	[hbm:s16], [sflag:s7] =	dma.local [spmem:s18], $0x2800  }
0x42: {  	_ =	swait.ge [sflag:s19], $0x2800  }
0x43: {  	[sflag:s19] =	ssyncset.done $0x0  }
0x44: {  	[sflag:s19] =	ssyncadd.s32 $0xFFFFD800  }
.LBB2_1:
0x45: {  	s8 =	rddreg [dreg:$0x5]  }
0x46: {  	[spmem:s18], [sflag:s7] =	dma.local [hbm:s8], $0x2800  }
0x47: {  	_ =	swait.ge [sflag:s19], $0x2800  }
0x48: {  	[sflag:s19] =	ssyncset.done $0x0  }
0x49: {  	s11 =	rddreg [dreg:$0x6];
	[sflag:s19] =	ssyncadd.s32 $0xFFFFD800  }
0x4a: {  	[tilespmem:s20], [sflag:$0x3] =	stream.linear.gather [hbm4b:s11+s5], $0x80, $0x38;
	[tilespmem:$0x1C980] =	vst v63  }
0x4b: {  	s9 =	rddreg [dreg:$0x7]  }
0x4c: {  	[tilespmem:s21], [sflag:$0x1] =	stream.linear.gather [hbm4b:s9+s5], $0x4000, $0x38;
	[tilespmem:$0x1C980] =	vst v63  }
0x4d: {  	s10 =	rddreg [dreg:$0x8]  }
0x4e: {  	[tilespmem:s22], [sflag:$0x4] =	stream.linear.gather [hbm4b:s10+s5], $0x80, $0x38;
	[tilespmem:$0x1C980] =	vst v63  }
0x4f: {  	s11 =	rddreg [dreg:$0x9]  }
0x50: {  	[tilespmem:s23], [sflag:$0x2] =	stream.linear.gather [hbm4b:s11+s5], $0x4000, $0x38;
	[tilespmem:$0x1C980] =	vst v63  }
0x51: {  	s8 =	simm.s32 $0x0;
	[bflag:$0x0] =	sbarrier.arrive $0xFFFF  }
.LBB2_2:
0x52: {  	_ =	swait.ge [sflag:s24], $0x80  }
0x53: {  	[sflag:s24] =	ssyncset.done $0x0  }
0x54: {  	[sflag:s24] =	ssyncadd.s32 $0xFFFFFF80  }
0x55: {  	_ =	swait.ge [sflag:s25], $0x4000  }
0x56: {  	[sflag:s25] =	ssyncset.done $0x0  }
0x57: {  	s9 =	simm.s32 $0x0;
	s10 =	simm.s32 $0x200;
	[sflag:s25] =	ssyncadd.s32 $0xFFFFC000  }
.LBB2_3:
0x58: {  	p0 =	sne.s32 s10, $0xFE00;
	v1 =	vld [tilespmem:s9+$0x14000];
	_ =	sdelay $0x2  }
.Ltmp2:
0x59: {  	(pc) =	sbr.rel @p0 .LBB2_3-.Ltmp2, $3  }
0x5a: {  	_ = 	snop  }
0x5b: {  	v1 =	vadd.f32 v0, v1;
	_ =	sdelay $0x1  }
0x5c: {  	[tilespmem:s9+$0x14000] =	vst v1;
	s9 =	sshra.s32 s10, $0x2;
	s10 =	sadd.s32 $0x200, s10  }
0x5d: {  	v1 =	vld [tilespmem:s9+$0x14000];
	_ =	sdelay $0x4  }
0x5e: {  	v1 =	vadd.f32 v0, v1;
	_ =	sdelay $0x1  }
0x5f: {  	[tilespmem:s9+$0x14000] =	vst v1  }
0x60: {  	[spmem:s4] =	stream.indirect.scatter.add.f32 [tilespmem:s21], [sflag:$0x5], $0x80, s20, s26, $0xb8;
	[tilespmem:$0x1C980] =	vst v63  }
0x61: {  	_ =	swait.ge [sflag:s28], $0x80  }
0x62: {  	[sflag:s28] =	ssyncset.done $0x0  }
0x63: {  	[sflag:s28] =	ssyncadd.s32 $0xFFFFFF80  }
0x64: {  	_ =	swait.ge [sflag:s29], $0x4000  }
0x65: {  	[sflag:s29] =	ssyncset.done $0x0  }
0x66: {  	s10 =	simm.s32 $0x200;
	s9 =	simm.s32 $0x0;
	[sflag:s29] =	ssyncadd.s32 $0xFFFFC000  }
.LBB2_5:
0x67: {  	p0 =	sne.s32 s10, $0xFE00;
	v1 =	vld [tilespmem:s9+$0x18000];
	_ =	sdelay $0x2  }
.Ltmp3:
0x68: {  	(pc) =	sbr.rel @p0 .LBB2_5-.Ltmp3, $3  }
0x69: {  	_ = 	snop  }
0x6a: {  	v1 =	vadd.f32 v0, v1;
	_ =	sdelay $0x1  }
0x6b: {  	[tilespmem:s9+$0x18000] =	vst v1;
	s9 =	sshra.s32 s10, $0x2;
	s10 =	sadd.s32 $0x200, s10  }
0x6c: {  	v1 =	vld [tilespmem:s9+$0x18000];
	_ =	sdelay $0x4  }
0x6d: {  	v1 =	vadd.f32 v0, v1  }
0x6e: {  	p0 =	seq.s32 s8, $0x26  }
.Ltmp4:
0x6f: {  	[tilespmem:s9+$0x18000] =	vst v1;
	(pc) =	sbr.rel @p0 .LBB2_8-.Ltmp4, $4  }
0x70: {  	[spmem:s4] =	stream.indirect.scatter.add.f32 [tilespmem:s23], [sflag:$0x6], $0x80, s22, s26, $0xb8;
	[tilespmem:$0x1C980] =	vst v63  }
0x71: {  	_ =	swait.ge [sflag:s30], $0x4000  }
0x72: {  	[sflag:s30] =	ssyncset.done $0x0  }
0x73: {  	[sflag:s30] =	ssyncadd.s32 $0xFFFFC000  }
0x74: {  	s9 =	sshll.u32 s8, $0x8  }
0x75: {  	s10 =	sadd.s32 s9, s12  }
0x76: {  	s11 =	sshrl.u32 s10, $0x3  }
0x77: {  	s10 =	sshll.u32 s10, $0x4;
	s11 =	sadd.s32 s2, s11  }
0x78: {  	[tilespmem:s20], [sflag:$0x3] =	stream.linear.gather [hbm4b:s11+s5], $0x80, $0x38;
	[tilespmem:$0x1C980] =	vst v63  }
0x79: {  	s10 =	sadd.s32 s1, s10  }
0x7a: {  	[tilespmem:s21], [sflag:$0x1] =	stream.linear.gather [hbm4b:s10+s5], $0x4000, $0x38;
	[tilespmem:$0x1C980] =	vst v63  }
0x7b: {  	s9 =	sadd.s32 s9, s13;
	_ =	swait.ge [sflag:s31], $0x4000  }
.Ltmp5:
0x7c: {  	s11 =	sshrl.u32 s9, $0x3;
	[sflag:s31] =	ssyncset.done $0x0;
	(pc) =	sbr.rel .LBB2_2-.Ltmp5, $4  }
0x7d: {  	s9 =	sshll.u32 s9, $0x4;
	s10 =	sadd.s32 s2, s11;
	[sflag:s31] =	ssyncadd.s32 $0xFFFFC000  }
0x7e: {  	[tilespmem:s22], [sflag:$0x4] =	stream.linear.gather [hbm4b:s10+s5], $0x80, $0x38;
	[tilespmem:$0x1C980] =	vst v63  }
0x7f: {  	s8 =	sadd.s32 $0x1, s8;
	s9 =	sadd.s32 s1, s9  }
0x80: {  	[tilespmem:s23], [sflag:$0x2] =	stream.linear.gather [hbm4b:s9+s5], $0x4000, $0x38;
	[tilespmem:$0x1C980] =	vst v63  }
.LBB2_9:
0x81: {  	_ =	sfence.sel $0x180000  }
0x82: {  	[bflag:$0x0] =	sbarrier.arrive $0xFFFF  }
0x83: {  	_ =	strace $0x90000047  }
0x84: {  	s0 =	stileid.u32;
	[bflag:$0x2] =	sbarrier.arrive $0xFFFF  }
0x85: {  	p0 =	sne.s32 s0, $0x0;
	s0 =	rddreg [dreg:$0x4]  }
0x86: {  	s0 =	sadd.s32 @!p0 $0x100000, s0  }
0x87: {  	[sflag:s0] =	ssyncadd.tile.s32 @!p0 $0x1;
	_ =	shalt  }
.Lfunc_end2:
_tile_overlayer_lowered:
.L_overlay_start_2:
0x88: {  	(tag) =	ssettag $0x2  }
0x89: {  	s0 =	rddreg [dreg:$0x0];
	s2 =	stileid.u32  }
0x8a: {  	s1 =	rddreg [dreg:$0x1];
	p0 =	sne.s32 s2, $0x0  }
0x8b: {  	s3 =	rddreg [dreg:$0x2];
	[bflag:$0x3] =	sbarrier.arrive $0xFFFF;
	s2 =	simm.s32 @!p0 $0x1C07  }
0x8c: {  	[timem:s3], [sflag:s2] =	dma.local @!p0 [hbm:s0], s1  }
0x8d: {  	s0 =	simm.s32 @!p0 $0x7  }
0x8e: {  	_ =	swait.ge @!p0 [sflag:s0], s1  }
0x8f: {  	s1 =	ssub.s32 @!p0 $0x0, s1;
	[sflag:s0] =	ssyncset.done @!p0 $0x0  }
0x90: {  	[sflag:s0] =	ssyncadd.s32 @!p0 s1  }
0x91: {  	[bflag:$0x3] =	sbarrier.arrive $0xFFFF  }
0x92: {  	_ =	shalt  }

</sc_bundles>
